<compile_context>
chip_gen: v7x
topology: tpu7x:2x2x1
jax: 0.10.2.dev20260603
libtpu: 0.0.44.dev20260713+nightly
codegen_flags: <defaults>
</compile_context>

<pallas_src>
import functools

import jax
import jax.numpy as jnp
from jax import lax
from jax.experimental import pallas as pl
from jax.experimental.pallas import tpu as pltpu
from jax.experimental.pallas import tpu_sc as plsc

_K = 2
_LANES = 16


def _router_body(x_ref, w_ref, aff_ref):
    logits = jnp.dot(x_ref[...], w_ref[...], preferred_element_type=jnp.float32)
    m = jnp.max(logits, axis=-1, keepdims=True)
    ex = jnp.exp(logits - m)
    aff_ref[...] = ex / jnp.sum(ex, axis=-1, keepdims=True)


def _make_sc_route(T):
    P = T * _K
    mesh = plsc.VectorSubcoreMesh(core_axis_name="c", subcore_axis_name="s")

    @functools.partial(
        pl.kernel,
        mesh=mesh,
        out_type=(
            jax.ShapeDtypeStruct((_LANES,), jnp.int32),
            jax.ShapeDtypeStruct((_LANES,), jnp.int32),
            jax.ShapeDtypeStruct((_LANES,), jnp.float32),
        ),
        scratch_types=[
            pltpu.VMEM((T * _LANES,), jnp.float32),
            pltpu.VMEM((T * _LANES,), jnp.float32),
            pltpu.VMEM((T * _LANES,), jnp.int32),
            pltpu.VMEM((_LANES,), jnp.float32),
            pltpu.VMEM((_LANES,), jnp.int32),
            pltpu.VMEM((_LANES,), jnp.int32),
            pltpu.VMEM((_LANES,), jnp.float32),
        ],
        compiler_params=pltpu.CompilerParams(needs_layout_passes=False),
    )
    def sc_route(aff_hbm, es_hbm, ts_hbm, vs_hbm,
                 aff_v, svals_v, sidx_v, pvals_v,
                 oe_v, ot_v, ov_v):
        c = lax.axis_index("c")
        s = lax.axis_index("s")

        @pl.when((c == 0) & (s == 0))
        def _():
            pltpu.sync_copy(aff_hbm, aff_v)
            lane = lax.iota(jnp.int32, _LANES)
            for t in range(T):
                row = aff_v[pl.ds(t * _LANES, _LANES)]
                sv, si = plsc.sort_key_val(row, lane, descending=True)
                svals_v[pl.ds(t * _LANES, _LANES)] = sv
                sidx_v[pl.ds(t * _LANES, _LANES)] = si
            pidx = jnp.where(
                lane < P,
                (lane // _K) * _LANES + (lane % _K),
                0,
            )
            keys = plsc.load_gather(sidx_v, [pidx])
            keys = jnp.where(lane < P, keys, 127)
            pv = plsc.load_gather(svals_v, [pidx])
            pvals_v[...] = jnp.where(lane < P, pv, 0.0)
            ks, ps = plsc.sort_key_val(keys, lane)
            oe_v[...] = ks
            ot_v[...] = ps // _K
            ov_v[...] = plsc.load_gather(pvals_v, [ps])
            pltpu.sync_copy(oe_v, es_hbm)
            pltpu.sync_copy(ot_v, ts_hbm)
            pltpu.sync_copy(ov_v, vs_hbm)

    return sc_route


def _mlp_body(e_ref, t_ref, v_ref, x_ref, g_ref, u_ref, d_ref, o_ref):
    j = pl.program_id(0)
    p = pl.program_id(1)
    T = o_ref.shape[0]

    @pl.when((j == 0) & (p == 0))
    def _():
        o_ref[...] = jnp.zeros_like(o_ref)

    xv = x_ref[0]
    g = jnp.dot(xv, g_ref[0], preferred_element_type=jnp.float32)
    u = jnp.dot(xv, u_ref[0], preferred_element_type=jnp.float32)
    a = g * jax.lax.logistic(g) * u
    part = jnp.dot(a, d_ref[0], preferred_element_type=jnp.float32)
    t = t_ref[p]
    scale = v_ref[p]
    rows = jax.lax.broadcasted_iota(jnp.int32, (T, 1), 0)
    o_ref[...] += jnp.where(rows == t, scale * part, 0.0)


def kernel(hidden_states, router_weight, gate_up_weights, down_weights):
    B, S, H = hidden_states.shape
    E = router_weight.shape[1]
    I = gate_up_weights.shape[2] // 2
    T = B * S
    P = T * _K
    x = hidden_states.reshape(T, H).astype(jnp.float32)

    aff = pl.pallas_call(
        _router_body,
        out_shape=jax.ShapeDtypeStruct((T, E), jnp.float32),
    )(x, router_weight.astype(jnp.float32))

    es, ts, vs = _make_sc_route(T)(aff.reshape(T * E))

    bI = 512
    J = I // bI

    grid_spec = pltpu.PrefetchScalarGridSpec(
        num_scalar_prefetch=3,
        grid=(J, P),
        in_specs=[
            pl.BlockSpec((1, 1, H), lambda j, p, e, t, v: (t[p], 0, 0)),
            pl.BlockSpec((1, H, bI), lambda j, p, e, t, v: (e[p], 0, j)),
            pl.BlockSpec((1, H, bI), lambda j, p, e, t, v: (e[p], 0, J + j)),
            pl.BlockSpec((1, bI, H), lambda j, p, e, t, v: (e[p], j, 0)),
        ],
        out_specs=pl.BlockSpec((T, H), lambda j, p, e, t, v: (0, 0)),
    )

    out = pl.pallas_call(
        _mlp_body,
        grid_spec=grid_spec,
        out_shape=jax.ShapeDtypeStruct((T, H), jnp.float32),
        compiler_params=pltpu.CompilerParams(
            dimension_semantics=("arbitrary", "arbitrary"),
        ),
    )(es, ts, vs, x.reshape(T, 1, H), gate_up_weights, gate_up_weights,
      down_weights)

    return out.reshape(B, S, H)

# --- scband reference (transcript-rebuilt; emitter-appended) ---
"""Pipeline reference for scband-mo-efused-tkg-53025666236534 (READ-ONLY COPY).

The authoritative reference and input builder live on the scoring server;
editing this copy changes nothing except your own understanding.
"""

import jax, jax.numpy as jnp
import numpy as np

B, S, H, E, K, I = 4, 1, 2048, 16, 2, 1024

def setup_inputs(seed: int = 0) -> dict:
    key = jax.random.key(seed)
    k1, k2, k3, k4 = jax.random.split(key, 4)
    hidden_states = jax.random.normal(k1, (B, S, H), dtype=jnp.float32)
    router_weight = jax.random.normal(k2, (H, E), dtype=jnp.float32) * 0.02
    gate_up_weights = jax.random.normal(k3, (E, H, 2 * I), dtype=jnp.float32) * 0.02
    down_weights = jax.random.normal(k4, (E, I, H), dtype=jnp.float32) * 0.02
    return {"hidden_states": hidden_states, "router_weight": router_weight,
            "gate_up_weights": gate_up_weights, "down_weights": down_weights}

def reference(hidden_states, router_weight, gate_up_weights, down_weights):
    # MoEFusedTKG forward (token generation): router softmax -> top-k -> routed GLU expert MLPs
    T = B * S
    x = hidden_states.reshape(T, H)
    # Router: logits in fp32 (matches router_logits fp32 buffer in kernel wrapper)
    router_logits = jnp.matmul(x.astype(jnp.float32), router_weight.astype(jnp.float32))  # [T, E]
    expert_affinities = jax.nn.softmax(router_logits, axis=-1)  # [T, E]
    topk_vals, topk_idx = jax.lax.top_k(expert_affinities, K)   # [T, K], [T, K]
    # Gather per-token expert weights (SparseCore-style gather over expert dim)
    gu = jnp.take(gate_up_weights, topk_idx, axis=0)            # [T, K, H, 2I]
    gate_proj = jnp.einsum('th,tkhi->tki', x, gu[..., :I])      # [T, K, I]
    up_proj = jnp.einsum('th,tkhi->tki', x, gu[..., I:])        # [T, K, I]
    act = jax.nn.silu(gate_proj) * up_proj                      # GLU with SiLU (hidden_act)
    dw = jnp.take(down_weights, topk_idx, axis=0)               # [T, K, I, H]
    expert_out = jnp.einsum('tki,tkih->tkh', act, dw)           # [T, K, H]
    # Scale by affinities (no top-k normalization: normalize_top_k_affinities=False)
    out = jnp.sum(expert_out * topk_vals[..., None].astype(expert_out.dtype), axis=1)  # [T, H]
    return out.reshape(B, S, H)

if __name__ == "__main__":
    import jax
    _d = setup_inputs()
    print(jax.jit(kernel)(*tuple(_d.values())))

</pallas_src>

<mosaic_0001>
#map = affine_map<(d0, d1) -> (0)>
module attributes {stable_mosaic.version = 14 : i64} {
  func.func @sc_route(%arg0: i32, %arg1: i32, %arg2: memref<64xf32, #tpu.memory_space<hbm>>, %arg3: memref<16xi32, #tpu.memory_space<hbm>>, %arg4: memref<16xi32, #tpu.memory_space<hbm>>, %arg5: memref<16xf32, #tpu.memory_space<hbm>>, %arg6: memref<64xf32, #tpu.memory_space<vmem>>, %arg7: memref<64xf32, #tpu.memory_space<vmem>>, %arg8: memref<64xi32, #tpu.memory_space<vmem>>, %arg9: memref<16xf32, #tpu.memory_space<vmem>>, %arg10: memref<16xi32, #tpu.memory_space<vmem>>, %arg11: memref<16xi32, #tpu.memory_space<vmem>>, %arg12: memref<16xf32, #tpu.memory_space<vmem>>) attributes {dimension_semantics = [#tpu.dimension_semantics<core_parallel>, #tpu.dimension_semantics<subcore_parallel>], iteration_bounds = array<i64: 2, 16>, scalar_prefetch = 0 : i64, scratch_operands = 7 : i64, tpu.core_type = #tpu.core_type<sc_vector_subcore>, window_params = [{transform_indices = #map}, {transform_indices = #map}, {transform_indices = #map}, {transform_indices = #map}]} {
    %eq3A = arith.constant 0 : i32
    %eq3A_0 = arith.cmpi eq, %arg0, %eq3A : i32
    %eq3A_1 = arith.constant 0 : i32
    %eq3A_2 = arith.cmpi eq, %arg1, %eq3A_1 : i32
    %and3A = arith.andi %eq3A_0, %eq3A_2 : i1
    %convert_element_type3A = arith.extui %and3A : i1 to i32
    %cond3A = arith.constant 0 : i32
    %cond3A_3 = arith.cmpi ne, %convert_element_type3A, %cond3A : i32
    scf.if %cond3A_3 {
      "tpu.region"() ({
        %run_scoped3A = tpu.sem_alloc : memref<!tpu.dma_semaphore, #tpu.memory_space<semaphore_mem>>
        tpu.enqueue_dma source(%arg2 : memref<64xf32, #tpu.memory_space<hbm>>) target(%arg6 : memref<64xf32, #tpu.memory_space<vmem>>) target_semaphore(%run_scoped3A : memref<!tpu.dma_semaphore, #tpu.memory_space<semaphore_mem>>)
        tpu.wait_dma2 semaphore(%run_scoped3A : memref<!tpu.dma_semaphore, #tpu.memory_space<semaphore_mem>>) src(%arg2 : memref<64xf32, #tpu.memory_space<hbm>>) dst(%arg6 : memref<64xf32, #tpu.memory_space<vmem>>)
        tpu.yield
      }) : () -> ()
      %iota3A = tpu.iota {dimensions = array<i32: 0>} : vector<16xi32>
      %get3A = arith.constant 0 : index
      %get3A_4 = tpu.vector_load %arg6[%get3A] {strides = array<i32>} : memref<64xf32, #tpu.memory_space<vmem>>, vector<16xf32>,
      %masked_sort3A = arith.constant dense<true> : vector<16xi1>
      %masked_sort3A_5, %masked_sort3A_6, %masked_sort3A_7 = tpu.sort %get3A_4, %iota3A masked %masked_sort3A {descending = true} : (vector<16xf32>, vector<16xi32>, vector<16xi1>) -> (vector<16xi1>, vector<16xf32>, vector<16xi32>)
      %swap3A = arith.constant 0 : index
      %swap3A_8 = tpu.vector_load %arg7[%swap3A] {strides = array<i32>} : memref<64xf32, #tpu.memory_space<vmem>>, vector<16xf32>,
      tpu.vector_store %arg7[%swap3A], %masked_sort3A_6 {strides = array<i32>} : memref<64xf32, #tpu.memory_space<vmem>>, vector<16xf32>,
      %swap3A_9 = arith.constant 0 : index
      %swap3A_10 = tpu.vector_load %arg8[%swap3A_9] {strides = array<i32>} : memref<64xi32, #tpu.memory_space<vmem>>, vector<16xi32>,
      tpu.vector_store %arg8[%swap3A_9], %masked_sort3A_7 {strides = array<i32>} : memref<64xi32, #tpu.memory_space<vmem>>, vector<16xi32>,
      %get3A_11 = arith.constant 16 : index
      %get3A_12 = tpu.vector_load %arg6[%get3A_11] {strides = array<i32>} : memref<64xf32, #tpu.memory_space<vmem>>, vector<16xf32>,
      %masked_sort3A_13 = arith.constant dense<true> : vector<16xi1>
      %masked_sort3A_14, %masked_sort3A_15, %masked_sort3A_16 = tpu.sort %get3A_12, %iota3A masked %masked_sort3A_13 {descending = true} : (vector<16xf32>, vector<16xi32>, vector<16xi1>) -> (vector<16xi1>, vector<16xf32>, vector<16xi32>)
      %swap3A_17 = arith.constant 16 : index
      %swap3A_18 = tpu.vector_load %arg7[%swap3A_17] {strides = array<i32>} : memref<64xf32, #tpu.memory_space<vmem>>, vector<16xf32>,
      tpu.vector_store %arg7[%swap3A_17], %masked_sort3A_15 {strides = array<i32>} : memref<64xf32, #tpu.memory_space<vmem>>, vector<16xf32>,
      %swap3A_19 = arith.constant 16 : index
      %swap3A_20 = tpu.vector_load %arg8[%swap3A_19] {strides = array<i32>} : memref<64xi32, #tpu.memory_space<vmem>>, vector<16xi32>,
      tpu.vector_store %arg8[%swap3A_19], %masked_sort3A_16 {strides = array<i32>} : memref<64xi32, #tpu.memory_space<vmem>>, vector<16xi32>,
      %get3A_21 = arith.constant 32 : index
      %get3A_22 = tpu.vector_load %arg6[%get3A_21] {strides = array<i32>} : memref<64xf32, #tpu.memory_space<vmem>>, vector<16xf32>,
      %masked_sort3A_23 = arith.constant dense<true> : vector<16xi1>
      %masked_sort3A_24, %masked_sort3A_25, %masked_sort3A_26 = tpu.sort %get3A_22, %iota3A masked %masked_sort3A_23 {descending = true} : (vector<16xf32>, vector<16xi32>, vector<16xi1>) -> (vector<16xi1>, vector<16xf32>, vector<16xi32>)
      %swap3A_27 = arith.constant 32 : index
      %swap3A_28 = tpu.vector_load %arg7[%swap3A_27] {strides = array<i32>} : memref<64xf32, #tpu.memory_space<vmem>>, vector<16xf32>,
      tpu.vector_store %arg7[%swap3A_27], %masked_sort3A_25 {strides = array<i32>} : memref<64xf32, #tpu.memory_space<vmem>>, vector<16xf32>,
      %swap3A_29 = arith.constant 32 : index
      %swap3A_30 = tpu.vector_load %arg8[%swap3A_29] {strides = array<i32>} : memref<64xi32, #tpu.memory_space<vmem>>, vector<16xi32>,
      tpu.vector_store %arg8[%swap3A_29], %masked_sort3A_26 {strides = array<i32>} : memref<64xi32, #tpu.memory_space<vmem>>, vector<16xi32>,
      %get3A_31 = arith.constant 48 : index
      %get3A_32 = tpu.vector_load %arg6[%get3A_31] {strides = array<i32>} : memref<64xf32, #tpu.memory_space<vmem>>, vector<16xf32>,
      %masked_sort3A_33 = arith.constant dense<true> : vector<16xi1>
      %masked_sort3A_34, %masked_sort3A_35, %masked_sort3A_36 = tpu.sort %get3A_32, %iota3A masked %masked_sort3A_33 {descending = true} : (vector<16xf32>, vector<16xi32>, vector<16xi1>) -> (vector<16xi1>, vector<16xf32>, vector<16xi32>)
      %swap3A_37 = arith.constant 48 : index
      %swap3A_38 = tpu.vector_load %arg7[%swap3A_37] {strides = array<i32>} : memref<64xf32, #tpu.memory_space<vmem>>, vector<16xf32>,
      tpu.vector_store %arg7[%swap3A_37], %masked_sort3A_35 {strides = array<i32>} : memref<64xf32, #tpu.memory_space<vmem>>, vector<16xf32>,
      %swap3A_39 = arith.constant 48 : index
      %swap3A_40 = tpu.vector_load %arg8[%swap3A_39] {strides = array<i32>} : memref<64xi32, #tpu.memory_space<vmem>>, vector<16xi32>,
      tpu.vector_store %arg8[%swap3A_39], %masked_sort3A_36 {strides = array<i32>} : memref<64xi32, #tpu.memory_space<vmem>>, vector<16xi32>,
      %lt3A = arith.constant 8 : i32
      %lt3A_41 = vector.broadcast %lt3A : i32 to vector<16xi32>
      %lt3A_42 = arith.cmpi slt, %iota3A, %lt3A_41 : vector<16xi32>
      %jit3A = arith.constant 2 : i32
      %div3A = vector.broadcast %jit3A : i32 to vector<16xi32>
      %div3A_43 = arith.divsi %iota3A, %div3A : vector<16xi32>
      %sign3A = arith.constant 0 : i32
      %sign3A_44 = vector.broadcast %sign3A : i32 to vector<16xi32>
      %sign3A_45 = arith.cmpi sgt, %iota3A, %sign3A_44 : vector<16xi32>
      %sign3A_46 = arith.extui %sign3A_45 : vector<16xi1> to vector<16xi32>
      %sign3A_47 = arith.constant 0 : i32
      %sign3A_48 = vector.broadcast %sign3A_47 : i32 to vector<16xi32>
      %sign3A_49 = arith.cmpi slt, %iota3A, %sign3A_48 : vector<16xi32>
      %sign3A_50 = arith.extui %sign3A_49 : vector<16xi1> to vector<16xi32>
      %sign3A_51 = arith.subi %sign3A_46, %sign3A_50 : vector<16xi32>
      %sign3A_52 = arith.constant 0 : i32
      %sign3A_53 = arith.cmpi sgt, %jit3A, %sign3A_52 : i32
      %sign3A_54 = arith.extui %sign3A_53 : i1 to i32
      %sign3A_55 = arith.constant 0 : i32
      %sign3A_56 = arith.cmpi slt, %jit3A, %sign3A_55 : i32
      %sign3A_57 = arith.extui %sign3A_56 : i1 to i32
      %sign3A_58 = arith.subi %sign3A_54, %sign3A_57 : i32
      %ne3A = vector.broadcast %sign3A_58 : i32 to vector<16xi32>
      %ne3A_59 = arith.cmpi ne, %sign3A_51, %ne3A : vector<16xi32>
      %rem3A = vector.broadcast %jit3A : i32 to vector<16xi32>
      %rem3A_60 = arith.remsi %iota3A, %rem3A : vector<16xi32>
      %ne3A_61 = arith.constant 0 : i32
      %ne3A_62 = vector.broadcast %ne3A_61 : i32 to vector<16xi32>
      %ne3A_63 = arith.cmpi ne, %rem3A_60, %ne3A_62 : vector<16xi32>
      %and3A_64 = arith.andi %ne3A_59, %ne3A_63 : vector<16xi1>
      %sub3A = arith.constant 1 : i32
      %sub3A_65 = vector.broadcast %sub3A : i32 to vector<16xi32>
      %sub3A_66 = arith.subi %div3A_43, %sub3A_65 : vector<16xi32>
      %select_n3A = arith.select %and3A_64, %sub3A_66, %div3A_43 : vector<16xi1>, vector<16xi32>
      %mul3A = arith.constant 16 : i32
      %mul3A_67 = vector.broadcast %mul3A : i32 to vector<16xi32>
      %mul3A_68 = arith.muli %select_n3A, %mul3A_67 : vector<16xi32>
      %jit3A_69 = arith.constant 2 : i32
      %eq3A_70 = arith.constant 0 : i32
      %eq3A_71 = arith.cmpi eq, %jit3A_69, %eq3A_70 : i32
      %jit3A_72 = arith.constant 1 : i32
      %select_n3A_73 = arith.select %eq3A_71, %jit3A_72, %jit3A_69 : i32
      %rem3A_74 = vector.broadcast %select_n3A_73 : i32 to vector<16xi32>
      %rem3A_75 = arith.remsi %iota3A, %rem3A_74 : vector<16xi32>
      %ne3A_76 = arith.constant 0 : i32
      %ne3A_77 = vector.broadcast %ne3A_76 : i32 to vector<16xi32>
      %ne3A_78 = arith.cmpi ne, %rem3A_75, %ne3A_77 : vector<16xi32>
      %lt3A_79 = arith.constant 0 : i32
      %lt3A_80 = vector.broadcast %lt3A_79 : i32 to vector<16xi32>
      %lt3A_81 = arith.cmpi slt, %rem3A_75, %lt3A_80 : vector<16xi32>
      %lt3A_82 = arith.constant 0 : i32
      %lt3A_83 = arith.cmpi slt, %select_n3A_73, %lt3A_82 : i32
      %ne3A_84 = vector.broadcast %lt3A_83 : i1 to vector<16xi1>
      %ne3A_85 = vector.broadcast %ne3A_84 : vector<16xi1> to vector<16xi1>
      %ne3A_86 = arith.xori %lt3A_81, %ne3A_85 : vector<16xi1>
      %and3A_87 = arith.andi %ne3A_86, %ne3A_78 : vector<16xi1>
      %add3A = vector.broadcast %select_n3A_73 : i32 to vector<16xi32>
      %add3A_88 = arith.addi %rem3A_75, %add3A : vector<16xi32>
      %select_n3A_89 = arith.select %and3A_87, %add3A_88, %rem3A_75 : vector<16xi1>, vector<16xi32>
      %add3A_90 = arith.addi %mul3A_68, %select_n3A_89 : vector<16xi32>
      %jit3A_91 = arith.constant 0 : i32
      %broadcast_in_dim3A = vector.broadcast %jit3A_91 : i32 to vector<16xi32>
      %select_n3A_92 = arith.select %lt3A_42, %add3A_90, %broadcast_in_dim3A : vector<16xi1>, vector<16xi32>
      %gather3A = tpu.vector_load_idx %arg8[%select_n3A_92] : memref<64xi32, #tpu.memory_space<vmem>>[vector<16xi32>], vector<16xi32>,
      %lt3A_93 = arith.constant 8 : i32
      %lt3A_94 = vector.broadcast %lt3A_93 : i32 to vector<16xi32>
      %lt3A_95 = arith.cmpi slt, %iota3A, %lt3A_94 : vector<16xi32>
      %jit3A_96 = arith.constant 127 : i32
      %broadcast_in_dim3A_97 = vector.broadcast %jit3A_96 : i32 to vector<16xi32>
      %select_n3A_98 = arith.select %lt3A_95, %gather3A, %broadcast_in_dim3A_97 : vector<16xi1>, vector<16xi32>
      %gather3A_99 = tpu.vector_load_idx %arg7[%select_n3A_92] : memref<64xf32, #tpu.memory_space<vmem>>[vector<16xi32>], vector<16xf32>,
      %lt3A_100 = arith.constant 8 : i32
      %lt3A_101 = vector.broadcast %lt3A_100 : i32 to vector<16xi32>
      %lt3A_102 = arith.cmpi slt, %iota3A, %lt3A_101 : vector<16xi32>
      %jit3A_103 = arith.constant 0.000000e+00 : f32
      %broadcast_in_dim3A_104 = vector.broadcast %jit3A_103 : f32 to vector<16xf32>
      %select_n3A_105 = arith.select %lt3A_102, %gather3A_99, %broadcast_in_dim3A_104 : vector<16xi1>, vector<16xf32>
      %swap3A_106 = arith.constant 0 : index
      %swap3A_107 = tpu.vector_load %arg9[%swap3A_106] {strides = array<i32>} : memref<16xf32, #tpu.memory_space<vmem>>, vector<16xf32>,
      tpu.vector_store %arg9[%swap3A_106], %select_n3A_105 {strides = array<i32>} : memref<16xf32, #tpu.memory_space<vmem>>, vector<16xf32>,
      %masked_sort3A_108 = arith.constant dense<true> : vector<16xi1>
      %masked_sort3A_109 = arith.constant -2147483648 : i32
      %masked_sort3A_110 = vector.broadcast %masked_sort3A_109 : i32 to vector<16xi32>
      %masked_sort3A_111 = arith.xori %select_n3A_98, %masked_sort3A_110 : vector<16xi32>
      %masked_sort3A_112, %masked_sort3A_113, %masked_sort3A_114 = tpu.sort %masked_sort3A_111, %iota3A masked %masked_sort3A_108 : (vector<16xi32>, vector<16xi32>, vector<16xi1>) -> (vector<16xi1>, vector<16xi32>, vector<16xi32>)
      %masked_sort3A_115 = arith.xori %masked_sort3A_113, %masked_sort3A_110 : vector<16xi32>
      %swap3A_116 = arith.constant 0 : index
      %swap3A_117 = tpu.vector_load %arg10[%swap3A_116] {strides = array<i32>} : memref<16xi32, #tpu.memory_space<vmem>>, vector<16xi32>,
      tpu.vector_store %arg10[%swap3A_116], %masked_sort3A_115 {strides = array<i32>} : memref<16xi32, #tpu.memory_space<vmem>>, vector<16xi32>,
      %jit3A_118 = arith.constant 2 : i32
      %div3A_119 = vector.broadcast %jit3A_118 : i32 to vector<16xi32>
      %div3A_120 = arith.divsi %masked_sort3A_114, %div3A_119 : vector<16xi32>
      %sign3A_121 = arith.constant 0 : i32
      %sign3A_122 = vector.broadcast %sign3A_121 : i32 to vector<16xi32>
      %sign3A_123 = arith.cmpi sgt, %masked_sort3A_114, %sign3A_122 : vector<16xi32>
      %sign3A_124 = arith.extui %sign3A_123 : vector<16xi1> to vector<16xi32>
      %sign3A_125 = arith.constant 0 : i32
      %sign3A_126 = vector.broadcast %sign3A_125 : i32 to vector<16xi32>
      %sign3A_127 = arith.cmpi slt, %masked_sort3A_114, %sign3A_126 : vector<16xi32>
      %sign3A_128 = arith.extui %sign3A_127 : vector<16xi1> to vector<16xi32>
      %sign3A_129 = arith.subi %sign3A_124, %sign3A_128 : vector<16xi32>
      %sign3A_130 = arith.constant 0 : i32
      %sign3A_131 = arith.cmpi sgt, %jit3A_118, %sign3A_130 : i32
      %sign3A_132 = arith.extui %sign3A_131 : i1 to i32
      %sign3A_133 = arith.constant 0 : i32
      %sign3A_134 = arith.cmpi slt, %jit3A_118, %sign3A_133 : i32
      %sign3A_135 = arith.extui %sign3A_134 : i1 to i32
      %sign3A_136 = arith.subi %sign3A_132, %sign3A_135 : i32
      %ne3A_137 = vector.broadcast %sign3A_136 : i32 to vector<16xi32>
      %ne3A_138 = arith.cmpi ne, %sign3A_129, %ne3A_137 : vector<16xi32>
      %rem3A_139 = vector.broadcast %jit3A_118 : i32 to vector<16xi32>
      %rem3A_140 = arith.remsi %masked_sort3A_114, %rem3A_139 : vector<16xi32>
      %ne3A_141 = arith.constant 0 : i32
      %ne3A_142 = vector.broadcast %ne3A_141 : i32 to vector<16xi32>
      %ne3A_143 = arith.cmpi ne, %rem3A_140, %ne3A_142 : vector<16xi32>
      %and3A_144 = arith.andi %ne3A_138, %ne3A_143 : vector<16xi1>
      %sub3A_145 = arith.constant 1 : i32
      %sub3A_146 = vector.broadcast %sub3A_145 : i32 to vector<16xi32>
      %sub3A_147 = arith.subi %div3A_120, %sub3A_146 : vector<16xi32>
      %select_n3A_148 = arith.select %and3A_144, %sub3A_147, %div3A_120 : vector<16xi1>, vector<16xi32>
      %swap3A_149 = arith.constant 0 : index
      %swap3A_150 = tpu.vector_load %arg11[%swap3A_149] {strides = array<i32>} : memref<16xi32, #tpu.memory_space<vmem>>, vector<16xi32>,
      tpu.vector_store %arg11[%swap3A_149], %select_n3A_148 {strides = array<i32>} : memref<16xi32, #tpu.memory_space<vmem>>, vector<16xi32>,
      %gather3A_151 = tpu.vector_load_idx %arg9[%masked_sort3A_114] : memref<16xf32, #tpu.memory_space<vmem>>[vector<16xi32>], vector<16xf32>,
      %swap3A_152 = arith.constant 0 : index
      %swap3A_153 = tpu.vector_load %arg12[%swap3A_152] {strides = array<i32>} : memref<16xf32, #tpu.memory_space<vmem>>, vector<16xf32>,
      tpu.vector_store %arg12[%swap3A_152], %gather3A_151 {strides = array<i32>} : memref<16xf32, #tpu.memory_space<vmem>>, vector<16xf32>,
      "tpu.region"() ({
        %run_scoped3A = tpu.sem_alloc : memref<!tpu.dma_semaphore, #tpu.memory_space<semaphore_mem>>
        tpu.enqueue_dma source(%arg10 : memref<16xi32, #tpu.memory_space<vmem>>) target(%arg3 : memref<16xi32, #tpu.memory_space<hbm>>) target_semaphore(%run_scoped3A : memref<!tpu.dma_semaphore, #tpu.memory_space<semaphore_mem>>)
        tpu.wait_dma2 semaphore(%run_scoped3A : memref<!tpu.dma_semaphore, #tpu.memory_space<semaphore_mem>>) src(%arg10 : memref<16xi32, #tpu.memory_space<vmem>>) dst(%arg3 : memref<16xi32, #tpu.memory_space<hbm>>)
        tpu.yield
      }) : () -> ()
      "tpu.region"() ({
        %run_scoped3A = tpu.sem_alloc : memref<!tpu.dma_semaphore, #tpu.memory_space<semaphore_mem>>
        tpu.enqueue_dma source(%arg11 : memref<16xi32, #tpu.memory_space<vmem>>) target(%arg4 : memref<16xi32, #tpu.memory_space<hbm>>) target_semaphore(%run_scoped3A : memref<!tpu.dma_semaphore, #tpu.memory_space<semaphore_mem>>)
        tpu.wait_dma2 semaphore(%run_scoped3A : memref<!tpu.dma_semaphore, #tpu.memory_space<semaphore_mem>>) src(%arg11 : memref<16xi32, #tpu.memory_space<vmem>>) dst(%arg4 : memref<16xi32, #tpu.memory_space<hbm>>)
        tpu.yield
      }) : () -> ()
      "tpu.region"() ({
        %run_scoped3A = tpu.sem_alloc : memref<!tpu.dma_semaphore, #tpu.memory_space<semaphore_mem>>
        tpu.enqueue_dma source(%arg12 : memref<16xf32, #tpu.memory_space<vmem>>) target(%arg5 : memref<16xf32, #tpu.memory_space<hbm>>) target_semaphore(%run_scoped3A : memref<!tpu.dma_semaphore, #tpu.memory_space<semaphore_mem>>)
        tpu.wait_dma2 semaphore(%run_scoped3A : memref<!tpu.dma_semaphore, #tpu.memory_space<semaphore_mem>>) src(%arg12 : memref<16xf32, #tpu.memory_space<vmem>>) dst(%arg5 : memref<16xf32, #tpu.memory_space<hbm>>)
        tpu.yield
      }) : () -> ()
    } else {
    }
    return
  }
}

module attributes {stable_mosaic.version = 14 : i64} {
  func.func @_mlp_body(%arg0: i32, %arg1: i32, %arg2: memref<16xi32, #tpu.memory_space<smem>>, %arg3: memref<16xi32, #tpu.memory_space<smem>>, %arg4: memref<16xf32, #tpu.memory_space<smem>>, %arg5: memref<1x1x2048xf32, #tpu.memory_space<vmem>>, %arg6: memref<1x2048x512xf32, #tpu.memory_space<vmem>>, %arg7: memref<1x2048x512xf32, #tpu.memory_space<vmem>>, %arg8: memref<1x512x2048xf32, #tpu.memory_space<vmem>>, %arg9: memref<4x2048xf32, #tpu.memory_space<vmem>>) attributes {dimension_semantics = [#tpu.dimension_semantics<arbitrary>, #tpu.dimension_semantics<arbitrary>], iteration_bounds = array<i64: 2, 8>, scalar_prefetch = 3 : i64, scratch_operands = 0 : i64, tpu.core_type = #tpu.core_type<tc>, window_params = [{transform_indices = @transform_0, window_bounds = array<i64: 1, 1, 2048>}, {transform_indices = @transform_1, window_bounds = array<i64: 1, 2048, 512>}, {transform_indices = @transform_2, window_bounds = array<i64: 1, 2048, 512>}, {transform_indices = @transform_3, window_bounds = array<i64: 1, 512, 2048>}, {pipeline_mode = #tpu.pipeline_mode<synchronous>, transform_indices = @transform_4, window_bounds = array<i64: 4, 2048>}]} {
    %eq3A = arith.constant 0 : i32
    %eq3A_0 = arith.cmpi eq, %arg0, %eq3A : i32
    %eq3A_1 = arith.constant 0 : i32
    %eq3A_2 = arith.cmpi eq, %arg1, %eq3A_1 : i32
    %and3A = arith.andi %eq3A_0, %eq3A_2 : i1
    %convert_element_type3A = arith.extui %and3A : i1 to i32
    %cond3A = arith.constant 0 : i32
    %cond3A_3 = arith.cmpi ne, %convert_element_type3A, %cond3A : i32
    scf.if %cond3A_3 {
      %broadcast_in_dim3A_51 = arith.constant 0.000000e+00 : f32
      %broadcast_in_dim3A_52 = vector.broadcast %broadcast_in_dim3A_51 : f32 to vector<4x2048xf32>
      %swap3A_53 = arith.constant 0 : index
      %swap3A_54 = arith.constant 0 : index
      %swap3A_55 = vector.load %arg9[%swap3A_53, %swap3A_54] : memref<4x2048xf32, #tpu.memory_space<vmem>>, vector<4x2048xf32>
      tpu.vector_store %arg9[%swap3A_53, %swap3A_54], %broadcast_in_dim3A_52 {strides = array<i32>} : memref<4x2048xf32, #tpu.memory_space<vmem>>, vector<4x2048xf32>,
    } else {
    }
    %get3A = arith.constant 0 : index
    %get3A_4 = arith.constant 0 : index
    %get3A_5 = arith.constant 0 : index
    %get3A_6 = vector.load %arg5[%get3A, %get3A_4, %get3A_5] : memref<1x1x2048xf32, #tpu.memory_space<vmem>>, vector<1x1x2048xf32>
    %get3A_7 = vector.shape_cast %get3A_6 : vector<1x1x2048xf32> to vector<1x2048xf32>
    %get3A_8 = arith.constant 0 : index
    %get3A_9 = arith.constant 0 : index
    %get3A_10 = arith.constant 0 : index
    %get3A_11 = vector.load %arg6[%get3A_8, %get3A_9, %get3A_10] : memref<1x2048x512xf32, #tpu.memory_space<vmem>>, vector<1x2048x512xf32>
    %get3A_12 = vector.shape_cast %get3A_11 : vector<1x2048x512xf32> to vector<2048x512xf32>
    %dot_general3A = arith.constant dense<0.000000e+00> : vector<1x512xf32>
    %dot_general3A_13 = tpu.matmul %get3A_7, %get3A_12, %dot_general3A {dimension_numbers = #tpu.dot_dimension_numbers<[1], [0], [0], [1], [0, 0, 1, 1], [], []>, transpose_lhs_hint = false} : vector<1x2048xf32>, vector<2048x512xf32>, vector<1x512xf32> -> vector<1x512xf32>
    %get3A_14 = arith.constant 0 : index
    %get3A_15 = arith.constant 0 : index
    %get3A_16 = arith.constant 0 : index
    %get3A_17 = vector.load %arg7[%get3A_14, %get3A_15, %get3A_16] : memref<1x2048x512xf32, #tpu.memory_space<vmem>>, vector<1x2048x512xf32>
    %get3A_18 = vector.shape_cast %get3A_17 : vector<1x2048x512xf32> to vector<2048x512xf32>
    %dot_general3A_19 = arith.constant dense<0.000000e+00> : vector<1x512xf32>
    %dot_general3A_20 = tpu.matmul %get3A_7, %get3A_18, %dot_general3A_19 {dimension_numbers = #tpu.dot_dimension_numbers<[1], [0], [0], [1], [0, 0, 1, 1], [], []>, transpose_lhs_hint = false} : vector<1x2048xf32>, vector<2048x512xf32>, vector<1x512xf32> -> vector<1x512xf32>
    %logistic3A = arith.negf %dot_general3A_13 : vector<1x512xf32>
    %logistic3A_21 = math.exp %logistic3A : vector<1x512xf32>
    %logistic3A_22 = arith.constant 1.000000e+00 : f32
    %logistic3A_23 = vector.broadcast %logistic3A_22 : f32 to vector<1x512xf32>
    %logistic3A_24 = arith.addf %logistic3A_23, %logistic3A_21 : vector<1x512xf32>
    %logistic3A_25 = arith.divf %logistic3A_23, %logistic3A_24 : vector<1x512xf32>
    %mul3A = arith.mulf %dot_general3A_13, %logistic3A_25 : vector<1x512xf32>
    %mul3A_26 = arith.mulf %mul3A, %dot_general3A_20 : vector<1x512xf32>
    %get3A_27 = arith.constant 0 : index
    %get3A_28 = arith.constant 0 : index
    %get3A_29 = arith.constant 0 : index
    %get3A_30 = vector.load %arg8[%get3A_27, %get3A_28, %get3A_29] : memref<1x512x2048xf32, #tpu.memory_space<vmem>>, vector<1x512x2048xf32>
    %get3A_31 = vector.shape_cast %get3A_30 : vector<1x512x2048xf32> to vector<512x2048xf32>
    %dot_general3A_32 = arith.constant dense<0.000000e+00> : vector<1x2048xf32>
    %dot_general3A_33 = tpu.matmul %mul3A_26, %get3A_31, %dot_general3A_32 {dimension_numbers = #tpu.dot_dimension_numbers<[1], [0], [0], [1], [0, 0, 1, 1], [], []>, transpose_lhs_hint = false} : vector<1x512xf32>, vector<512x2048xf32>, vector<1x2048xf32> -> vector<1x2048xf32>
    %get3A_34 = arith.index_cast %arg1 : i32 to index
    %get3A_35 = memref.load %arg3[%get3A_34] : memref<16xi32, #tpu.memory_space<smem>>
    %get3A_36 = arith.index_cast %arg1 : i32 to index
    %get3A_37 = memref.load %arg4[%get3A_36] : memref<16xf32, #tpu.memory_space<smem>>
    %iota3A = tpu.iota {dimensions = array<i32: 0>} : vector<4x1xi32>
    %get3A_38 = arith.constant 0 : index
    %get3A_39 = arith.constant 0 : index
    %get3A_40 = vector.load %arg9[%get3A_38, %get3A_39] : memref<4x2048xf32, #tpu.memory_space<vmem>>, vector<4x2048xf32>
    %eq3A_41 = vector.broadcast %get3A_35 : i32 to vector<4x1xi32>
    %eq3A_42 = arith.cmpi eq, %iota3A, %eq3A_41 : vector<4x1xi32>
    %mul3A_43 = vector.broadcast %get3A_37 : f32 to vector<1x2048xf32>
    %mul3A_44 = arith.mulf %mul3A_43, %dot_general3A_33 : vector<1x2048xf32>
    %jit3A = arith.constant 0.000000e+00 : f32
    %broadcast_in_dim3A = vector.shape_cast %eq3A_42 : vector<4x1xi1> to vector<4x1xi1>
    %broadcast_in_dim3A_45 = vector.broadcast %broadcast_in_dim3A : vector<4x1xi1> to vector<4x2048xi1>
    %broadcast_in_dim3A_46 = vector.shape_cast %mul3A_44 : vector<1x2048xf32> to vector<1x2048xf32>
    %broadcast_in_dim3A_47 = vector.broadcast %broadcast_in_dim3A_46 : vector<1x2048xf32> to vector<4x2048xf32>
    %broadcast_in_dim3A_48 = vector.broadcast %jit3A : f32 to vector<4x2048xf32>
    %select_n3A = arith.select %broadcast_in_dim3A_45, %broadcast_in_dim3A_47, %broadcast_in_dim3A_48 : vector<4x2048xi1>, vector<4x2048xf32>
    %add3A = arith.addf %get3A_40, %select_n3A : vector<4x2048xf32>
    %swap3A = arith.constant 0 : index
    %swap3A_49 = arith.constant 0 : index
    %swap3A_50 = vector.load %arg9[%swap3A, %swap3A_49] : memref<4x2048xf32, #tpu.memory_space<vmem>>, vector<4x2048xf32>
    tpu.vector_store %arg9[%swap3A, %swap3A_49], %add3A {strides = array<i32>} : memref<4x2048xf32, #tpu.memory_space<vmem>>, vector<4x2048xf32>,
    return
  }
  func.func @transform_0(%arg0: i32, %arg1: i32, %arg2: memref<16xi32, #tpu.memory_space<smem>>, %arg3: memref<16xi32, #tpu.memory_space<smem>>, %arg4: memref<16xf32, #tpu.memory_space<smem>>) -> (i32, i32, i32) {
    %get3A = arith.index_cast %arg1 : i32 to index
    %get3A_0 = memref.load %arg3[%get3A] : memref<16xi32, #tpu.memory_space<smem>>
    %c0_i32 = arith.constant 0 : i32
    %c0_i32_1 = arith.constant 0 : i32
    %c0_i32_2 = arith.constant 0 : i32
    return %get3A_0, %c0_i32, %c0_i32_1 : i32, i32, i32
  }
  func.func @transform_1(%arg0: i32, %arg1: i32, %arg2: memref<16xi32, #tpu.memory_space<smem>>, %arg3: memref<16xi32, #tpu.memory_space<smem>>, %arg4: memref<16xf32, #tpu.memory_space<smem>>) -> (i32, i32, i32) {
    %get3A = arith.index_cast %arg1 : i32 to index
    %get3A_0 = memref.load %arg2[%get3A] : memref<16xi32, #tpu.memory_space<smem>>
    %c0_i32 = arith.constant 0 : i32
    %c0_i32_1 = arith.constant 0 : i32
    return %get3A_0, %c0_i32, %arg0 : i32, i32, i32
  }
  func.func @transform_2(%arg0: i32, %arg1: i32, %arg2: memref<16xi32, #tpu.memory_space<smem>>, %arg3: memref<16xi32, #tpu.memory_space<smem>>, %arg4: memref<16xf32, #tpu.memory_space<smem>>) -> (i32, i32, i32) {
    %get3A = arith.index_cast %arg1 : i32 to index
    %get3A_0 = memref.load %arg2[%get3A] : memref<16xi32, #tpu.memory_space<smem>>
    %add3A = arith.constant 2 : i32
    %add3A_1 = arith.addi %add3A, %arg0 : i32
    %c0_i32 = arith.constant 0 : i32
    %c0_i32_2 = arith.constant 0 : i32
    return %get3A_0, %c0_i32, %add3A_1 : i32, i32, i32
  }
  func.func @transform_3(%arg0: i32, %arg1: i32, %arg2: memref<16xi32, #tpu.memory_space<smem>>, %arg3: memref<16xi32, #tpu.memory_space<smem>>, %arg4: memref<16xf32, #tpu.memory_space<smem>>) -> (i32, i32, i32) {
    %get3A = arith.index_cast %arg1 : i32 to index
    %get3A_0 = memref.load %arg2[%get3A] : memref<16xi32, #tpu.memory_space<smem>>
    %c0_i32 = arith.constant 0 : i32
    %c0_i32_1 = arith.constant 0 : i32
    return %get3A_0, %arg0, %c0_i32 : i32, i32, i32
  }
  func.func @transform_4(%arg0: i32, %arg1: i32, %arg2: memref<16xi32, #tpu.memory_space<smem>>, %arg3: memref<16xi32, #tpu.memory_space<smem>>, %arg4: memref<16xf32, #tpu.memory_space<smem>>) -> (i32, i32) {
    %c0_i32 = arith.constant 0 : i32
    %c0_i32_0 = arith.constant 0 : i32
    %c0_i32_1 = arith.constant 0 : i32
    return %c0_i32, %c0_i32_0 : i32, i32
  }
}

module attributes {stable_mosaic.version = 14 : i64} {
  func.func @_router_body(%arg0: memref<4x2048xf32, #tpu.memory_space<vmem>>, %arg1: memref<2048x16xf32, #tpu.memory_space<vmem>>, %arg2: memref<4x16xf32, #tpu.memory_space<vmem>>) attributes {dimension_semantics = [], scalar_prefetch = 0 : i64, scratch_operands = 0 : i64, tpu.core_type = #tpu.core_type<tc>} {
    %get3A = arith.constant 0 : index
    %get3A_0 = arith.constant 0 : index
    %get3A_1 = vector.load %arg0[%get3A, %get3A_0] : memref<4x2048xf32, #tpu.memory_space<vmem>>, vector<4x2048xf32>
    %get3A_2 = arith.constant 0 : index
    %get3A_3 = arith.constant 0 : index
    %get3A_4 = vector.load %arg1[%get3A_2, %get3A_3] : memref<2048x16xf32, #tpu.memory_space<vmem>>, vector<2048x16xf32>
    %dot_general3A = arith.constant dense<0.000000e+00> : vector<4x16xf32>
    %dot_general3A_5 = tpu.matmul %get3A_1, %get3A_4, %dot_general3A {dimension_numbers = #tpu.dot_dimension_numbers<[1], [0], [0], [1], [0, 0, 1, 1], [], []>, transpose_lhs_hint = false} : vector<4x2048xf32>, vector<2048x16xf32>, vector<4x16xf32> -> vector<4x16xf32>
    %reduce_max3A = arith.constant dense<0xFF800000> : vector<4xf32>
    %reduce_max3A_6 = vector.multi_reduction <maximumf>, %dot_general3A_5, %reduce_max3A [1] : vector<4x16xf32> to vector<4xf32>
    %broadcast_in_dim3A = vector.shape_cast %reduce_max3A_6 : vector<4xf32> to vector<4x1xf32>
    %sub3A = vector.broadcast %broadcast_in_dim3A : vector<4x1xf32> to vector<4x16xf32>
    %sub3A_7 = arith.subf %dot_general3A_5, %sub3A : vector<4x16xf32>
    %exp3A = math.exp %sub3A_7 : vector<4x16xf32>
    %reduce_sum3A = arith.constant dense<0.000000e+00> : vector<4xf32>
    %reduce_sum3A_8 = vector.multi_reduction <add>, %exp3A, %reduce_sum3A [1] : vector<4x16xf32> to vector<4xf32>
    %broadcast_in_dim3A_9 = vector.shape_cast %reduce_sum3A_8 : vector<4xf32> to vector<4x1xf32>
    %div3A = vector.broadcast %broadcast_in_dim3A_9 : vector<4x1xf32> to vector<4x16xf32>
    %div3A_10 = arith.divf %exp3A, %div3A : vector<4x16xf32>
    %swap3A = arith.constant 0 : index
    %swap3A_11 = arith.constant 0 : index
    %swap3A_12 = vector.load %arg2[%swap3A, %swap3A_11] : memref<4x16xf32, #tpu.memory_space<vmem>>, vector<4x16xf32>
    tpu.vector_store %arg2[%swap3A, %swap3A_11], %div3A_10 {strides = array<i32>} : memref<4x16xf32, #tpu.memory_space<vmem>>, vector<4x16xf32>,
    return
  }
}

</mosaic_0001>

<sc_bundles>
// kernel: kernel.5.cloned.1.call-start
scs
__scs_entry_jumppad:
0x0: {  	(pc) =	sbr.rel $0x88, $3  }
0x1: {  	(tag) =	ssettag $0x0;
	lr =	simm.s32 $0x1  }
0x2: {  	[smem:$0x3F9D] =	sst lr;
	_ =	strace $0xD0000000  }
0x3: {  	_ = 	snop  }
0x4: {  	_ = 	snop  }
0x5: {  	_ = 	snop  }
0x6: {  	_ = 	snop  }
0x7: {  	_ = 	snop  }
__scs_overlays_trampoline_lowered:
0x8: {  	[smem:$0x3FAC] =	sst s0  }
0x9: {  	[smem:$0x3FAD] =	sst s1  }
0xa: {  	[smem:$0x3FAE] =	sst s2  }
0xb: {  	[smem:$0x3FAF] =	sst s3  }
0xc: {  	[smem:$0x3FB0] =	sst s4  }
0xd: {  	[smem:$0x3FB1] =	sst s5  }
0xe: {  	[smem:$0x3FB2] =	sst s6  }
0xf: {  	[smem:$0x3FB3] =	sst s7  }
0x10: {  	[smem:$0x3FB4] =	sst s8  }
0x11: {  	[smem:$0x3FB5] =	sst s9;
	s0 =	simm.s32 @!p0 $0x0  }
0x12: {  	s1 =	sld [smem:$0x3F9B];
	s0 =	simm.s32 @p0 $0x1  }
0x13: {  	[smem:$0x3FB6] =	sst s0;
	s0 =	simm.s32 @!p1 $0x0  }
0x14: {  	s2 =	sld [smem:$0x3F9A];
	s0 =	simm.s32 @p1 $0x1  }
0x15: {  	[smem:$0x3FB7] =	sst s0;
	s0 =	simm.s32 @!p2 $0x0  }
0x16: {  	s3 =	sld [smem:$0x3FDB];
	s0 =	simm.s32 @p2 $0x1  }
0x17: {  	s4 =	simm.s32 $0x1BF5;
	[smem:$0x3FB9] =	sst s0  }
0x18: {  	s0 =	sld [smem:$0x3F9C];
	_ =	swait.ge [sflag:s4], $0x0  }
0x19: {  	s7 =	sld [smem:$0x3F9D]  }
0x1a: {  	s8 =	sadd.s32 $0xFFFFE003, lr  }
0x1b: {  	s9 =	sadd.s32 $0xFFFFFEF7, lr;
	s5 =	simm.s32 $0xFFFFFFFF;
	p2 =	slt.u32 s8, $0xFFFFF086  }
0x1c: {  	p1 =	slt.u32 s9, $0xF7A;
	s5 =	simm.s32 @!p2 $0x0  }
0x1d: {  	s5 =	simm.s32 @p1 $0x1;
	p0 =	seq.s32 s7, s2  }
0x1e: {  	s7 =	smul.u32 @!p0 $0xF7A, s2;
	p2 =	seq.s32 @!p0 s5, $0x0  }
0x1f: {  	s9 =	smul.u32 $0xF7A, s1;
	s8 =	simm.s32 @!p0 $0x1BF5;
	p2 =	por !p2, p0  }
0x20: {  	[sflag:s8] =	ssyncset.s32 @!p0 $0xFFFFF086;
	s6 =	sadd.s32 @!p0 s3, s7;
	s7 =	simm.s32 @!p0 $0x108  }
0x21: {  	s3 =	sadd.s32 s3, s9;
	s6 =	sadd.s32 @!p0 $0x88, s6;
	s7 =	simm.s32 @p2 $0x1082  }
0x22: {  	[simem:s7], [sflag:s8] =	dma.local @!p0 [hbm:s6], $0xF7A  }
0x23: {  	s9 =	sor.u32 $0xD0000000, s2;
	s6 =	simm.s32 $0x108;
	_ =	swait.ge @!p0 [sflag:s8], $0x0  }
0x24: {  	s3 =	sadd.s32 $0x88, s3;
	s6 =	simm.s32 @!p1 $0x1082;
	[sflag:s4] =	ssyncset.s32 $0xFFFFF086  }
0x25: {  	[simem:s6], [sflag:s4] =	dma.local [hbm:s3], $0xF7A  }
0x26: {  	[smem:$0x3F9D] =	sst s1;
	(tag) =	ssettag s2;
	_ =	strace s9  }
0x27: {  	s1 =	sld [smem:$0x3FAD]  }
0x28: {  	s2 =	sld [smem:$0x3FAE]  }
0x29: {  	s4 =	sld [smem:$0x3FB0]  }
0x2a: {  	p0 =	seq.s32 s5, $0x0;
	s5 =	sld [smem:$0x3FB1]  }
0x2b: {  	s6 =	sld [smem:$0x3FB2]  }
0x2c: {  	s7 =	sld [smem:$0x3FB3]  }
0x2d: {  	s3 =	simm.s32 $0x108;
	s8 =	sld [smem:$0x3FB4]  }
0x2e: {  	s3 =	simm.s32 @!p0 $0x1082;
	s9 =	sld [smem:$0x3FB5]  }
0x2f: {  	lr =	sadd.s32 s0, s3;
	s0 =	sld [smem:$0x3FAC]  }
0x30: {  	s3 =	sld [smem:$0x3FAF]  }
0x31: {  	[smem:$0x3FB8] =	sst s10  }
0x32: {  	s10 =	sld [smem:$0x3FB6];
	_ =	sdelay $0x3  }
0x33: {  	p0 =	seq.s32 s10, $0x1;
	s10 =	sld [smem:$0x3FB8];
	_ =	sdelay $0x3  }
0x34: {  	[smem:$0x3FB8] =	sst s10  }
0x35: {  	s10 =	sld [smem:$0x3FB7];
	_ =	sdelay $0x3  }
0x36: {  	p1 =	seq.s32 s10, $0x1;
	s10 =	sld [smem:$0x3FB8];
	_ =	sdelay $0x3  }
0x37: {  	[smem:$0x3FB8] =	sst s10  }
0x38: {  	s10 =	sld [smem:$0x3FB9]  }
0x39: {  	_ = 	snop;
	(pc) =	sbr.ind lr, $3  }
0x3a: {  	_ = 	snop  }
0x3b: {  	_ = 	snop  }
0x3c: {  	p2 =	seq.s32 s10, $0x1;
	s10 =	sld [smem:$0x3FB8]  }
0x3d: {  	_ =	shalt  }
0x3e: {  	_ =	shalt  }
0x3f: {  	_ =	shalt  }
0x40: {  	_ =	shalt  }
0x41: {  	_ =	shalt  }
0x42: {  	_ =	shalt  }
0x43: {  	_ =	shalt  }
0x44: {  	_ =	shalt  }
0x45: {  	_ =	shalt  }
0x46: {  	_ =	shalt  }
0x47: {  	_ =	shalt  }
0x48: {  	_ =	shalt  }
0x49: {  	_ =	shalt  }
0x4a: {  	_ =	shalt  }
0x4b: {  	_ =	shalt  }
0x4c: {  	_ =	shalt  }
0x4d: {  	_ =	shalt  }
0x4e: {  	_ =	shalt  }
0x4f: {  	_ =	shalt  }
0x50: {  	_ =	shalt  }
0x51: {  	_ =	shalt  }
0x52: {  	_ =	shalt  }
0x53: {  	_ =	shalt  }
0x54: {  	_ =	shalt  }
0x55: {  	_ =	shalt  }
0x56: {  	_ =	shalt  }
0x57: {  	_ =	shalt  }
0x58: {  	_ =	shalt  }
0x59: {  	_ =	shalt  }
0x5a: {  	_ =	shalt  }
0x5b: {  	_ =	shalt  }
0x5c: {  	_ =	shalt  }
0x5d: {  	_ =	shalt  }
0x5e: {  	_ =	shalt  }
0x5f: {  	_ =	shalt  }
0x60: {  	_ =	shalt  }
0x61: {  	_ =	shalt  }
0x62: {  	_ =	shalt  }
0x63: {  	_ =	shalt  }
0x64: {  	_ =	shalt  }
0x65: {  	_ =	shalt  }
0x66: {  	_ =	shalt  }
0x67: {  	_ =	shalt  }
0x68: {  	_ =	shalt  }
0x69: {  	_ =	shalt  }
0x6a: {  	_ =	shalt  }
0x6b: {  	_ =	shalt  }
0x6c: {  	_ =	shalt  }
0x6d: {  	_ =	shalt  }
0x6e: {  	_ =	shalt  }
0x6f: {  	_ =	shalt  }
0x70: {  	_ =	shalt  }
0x71: {  	_ =	shalt  }
0x72: {  	_ =	shalt  }
0x73: {  	_ =	shalt  }
0x74: {  	_ =	shalt  }
0x75: {  	_ =	shalt  }
0x76: {  	_ =	shalt  }
0x77: {  	_ =	shalt  }
0x78: {  	_ =	shalt  }
0x79: {  	_ =	shalt  }
0x7a: {  	_ =	shalt  }
0x7b: {  	_ =	shalt  }
0x7c: {  	_ =	shalt  }
0x7d: {  	_ =	shalt  }
0x7e: {  	_ =	shalt  }
0x7f: {  	_ =	shalt  }
0x80: {  	_ =	shalt  }
0x81: {  	_ =	shalt  }
0x82: {  	_ =	shalt  }
0x83: {  	_ =	shalt  }
0x84: {  	_ =	shalt  }
0x85: {  	_ =	shalt  }
0x86: {  	_ =	shalt  }
0x87: {  	_ =	shalt  }
.Lfunc_end0:
.L_simem_size_0:
called_computation_lowered:
.L_overlay_start_0:
0x88: {  	s2 =	sld [smem:$0x3FD9]  }
0x89: {  	s3 =	sld [smem:$0x3FFE];
	_ =	sdelay $0x1  }
0x8a: {  	s1 =	srdreg.scid  }
0x8b: {  	s0 =	sand.u32 $0x1, s1  }
0x8c: {  	s17 =	sshll.u32 s0, $0xA;
	s2 =	sadd.s32 s3, s2  }
0x8d: {  	s2 =	sadd.s32 s2, s17  }
0x8e: {  	[smem:$0x3FC4] =	sst s2  }
0x8f: {  	_ = 	snop  }
0x90: {  	s2 =	sld [smem:$0x3FD0];
	(tm) =	ssettm $0x1  }
0x91: {  	s18 =	sld [smem:$0x3FFB];
	_ =	sdelay $0x3  }
0x92: {  	_ =	strace s18  }
0x93: {  	s3 =	sld [smem:$0x3FFC];
	_ =	sdelay $0x3  }
0x94: {  	_ =	strace s3  }
0x95: {  	s3 =	sld [smem:$0x3FFD];
	_ =	sdelay $0x3  }
0x96: {  	_ =	strace s3  }
0x97: {  	_ =	strace $0x8FFFFFFF  }
0x98: {  	s19 =	sld [smem:$0x3FDB];
	_ =	sdelay $0x1  }
0x99: {  	s4 =	simm.s32 $_scs_section_size  }
0x9a: {  	s5 =	simm.s32 $_size__tile_overlayer_lowered;
	s6 =	simm.s32 $_tile_overlayer_lowered  }
0x9b: {  	s22 =	simm.s32 $0x1BFF;
	s21 =	sshll.u32 s6, $0x1;
	s3 =	sadd.s32 s4, s19  }
0x9c: {  	s7 =	simm.s32 $0x0;
	s20 =	sshll.u32 s5, $0x1;
	s5 =	sadd.s32 s21, s3  }
0x9d: {  	[timem:s7], [sflag:s22] =	dma.local [hbm:s5], s20  }
0x9e: {  	_ =	swait.ge [sflag:s22], s20  }
0x9f: {  	s4 =	ssub.s32 $0x0, s20;
	[sflag:s22] =	ssyncset.done $0x0  }
0xa0: {  	[sflag:s22] =	ssyncadd.s32 s4;
	_ =	sdelay $0x1  }
0xa1: {  	s23 =	simm.s32 $0x1B8B  }
0xa2: {  	_ =	swait.ge [sflag:s23], $0x1  }
0xa3: {  	[sflag:s23] =	ssyncset.done $0x0  }
0xa4: {  	s25 =	simm.s32 $0x1B8E;
	s24 =	sld [smem:$0x3FFE];
	[sflag:s23] =	ssyncadd.s32 $0xFFFFFFFF  }
0xa5: {  	s26 =	simm.s32 $execute0_lowered;
	[smem:$0x3FD2] =	sst s25  }
0xa6: {  	s5 =	sshll.u32 s26, $0x1;
	_ =	strace $0x80000046;
	[dreg:$0x1] =	wrdreg $0xFFFFFFFF  }
0xa7: {  	s28 =	simm.s32 $_size_execute0_lowered;
	s3 =	sadd.s32 s3, s5;
	[dreg:$0x0] =	wrdreg $0x0  }
0xa8: {  	s5 =	sshll.u32 s28, $0x1;
	[dreg:$0x2] =	wrdreg s3  }
0xa9: {  	[dreg:$0x3] =	wrdreg s5  }
0xaa: {  	[dreg:$0x4] =	wrdreg $0xC0  }
0xab: {  	_ =	task [dreg:s7], $0x5FFFF  }
0xac: {  	[dreg:$0x1] =	wrdreg $0xFFFFFFFF  }
0xad: {  	[dreg:$0x0] =	wrdreg $0x60  }
0xae: {  	[dreg:$0x2] =	wrdreg s2  }
0xaf: {  	[dreg:$0x3] =	wrdreg s24  }
0xb0: {  	[dreg:$0x4] =	wrdreg $0x9  }
0xb1: {  	_ =	task.clear_ibuf [dreg:s7], $0x5FFFF;
	_ =	strace $0x90000046  }
0xb2: {  	s29 =	simm.s32 $0x9;
	_ =	strace $0x80000048  }
0xb3: {  	_ =	swait.ge [sflag:s29], $0x1  }
0xb4: {  	[sflag:s29] =	ssyncadd.s32 $0xFFFFFFFF  }
0xb5: {  	_ =	strace $0x90000048  }
0xb6: {  	_ =	sfence  }
0xb7: {  	s30 =	sld [smem:$0x0];
	_ =	sdelay $0x2  }
0xb8: {  	s31 =	sshll.u32 s1, $0xD;
	s1 =	sshrl.u32 s1, $0x2  }
0xb9: {  	s3 =	sand.u32 $0x4000, s31;
	s1 =	sadd.s32 s1, s30  }
0xba: {  	s0 =	sor.u32 s3, s0;
	s1 =	sshll.u32 s1, $0x11  }
0xbb: {  	s0 =	sor.u32 s1, s0  }
0xbc: {  	s0 =	sadd.s32 $0x8F2B, s0  }
0xbd: {  	[sflag:s0] =	ssyncadd.remote.s32 $0x1  }
0xbe: {  	_ =	sfence.sel $0xFFFF  }
0xbf: {  	[dreg:$0x0] =	wrdreg $0xFFFFFFFF;
	(pc) =	sbr.abs _section_cstart, $3  }
0xc0: {  	[dreg:$0x1] =	wrdreg $0xFFFFFFFF  }
0xc1: {  	_ =	task.clear_ibuf [dreg:s7], $0x2FFFF;
	_ =	strace $0x9FFFFFFF  }
0xc2: {  	(tm) =	ssettm $0x7FFFFFFF  }
0xc3: {  	_ =	shalt  }
tec
execute0_lowered:
.L_overlay_start_1:
0x0: {  	(tag) =	ssettag $0x1  }
0x1: {  	s0 =	srdreg.scid  }
0x2: {  	s9 =	sand.u32 $0x1, s0;
	s0 =	stileid.u32  }
0x3: {  	s3 =	sor.u32 s0, s9  }
0x4: {  	p0 =	sne.s32 s3, $0x0  }
.Ltmp0:
0x5: {  	_ = 	snop;
	(pc) =	sbr.rel @p0 .LBB2_4-.Ltmp0, $4  }
0x6: {  	_ = 	snop  }
0x7: {  	s2 =	rddreg [dreg:$0x0]  }
0x8: {  	s10 =	rddreg [dreg:$0x1]  }
0x9: {  	s1 =	rddreg [dreg:$0x2];
	_ =	strace $0x80000047  }
0xa: {  	s4 =	simm.s32 $0x0;
	s3 =	simm.s32 $0x1  }
0xb: {  	[tilespmem:s4], [sflag:$0x1] =	stream.linear.gather [hbm4b:s2+s4], $0x80, $0x38;
	[tilespmem:$0x380] =	vst v63  }
0xc: {  	_ =	swait.ge [sflag:s3], $0x80  }
0xd: {  	[sflag:s3] =	ssyncset.done $0x0  }
0xe: {  	[sflag:s3] =	ssyncadd.s32 $0xFFFFFF80  }
0xf: {  	v1 =	vld [tilespmem:$0x30];
	_ =	sdelay $0x1  }
0x10: {  	v2 =	vld [tilespmem:$0x0];
	_ =	sdelay $0x1  }
0x11: {  	v0 =	vlaneseq.u32;
	v3 =	vld [tilespmem:$0x10]  }
0x12: {  	(xrf1) =	vsort.dscd.msk.f32 $0xffff, v1, v0  }
0x13: {  	v4 =	vld [tilespmem:$0x20]  }
0x14: {  	(xrf1) =	vsort.dscd.msk.f32 $0xffff, v2, v0;
	_ =	sdelay $0x1  }
0x15: {  	(xrf1) =	vsort.dscd.msk.f32 $0xffff, v3, v0;
	_ =	sdelay $0x1  }
0x16: {  	(xrf1) =	vsort.dscd.msk.f32 $0xffff, v4, v0;
	_ =	sdelay $0x7  }
0x17: {  	v1 =	vimm.s32 $0x11100120;
	v2, v3, _ =	vpop (xrf1)  }
0x18: {  	v56 =	vimm.s32 $0x31302100;
	v1 =	vunpack.c.0.s8.s32 v1;
	[tilespmem:$0xB0] =	vst v2  }
0x19: {  	vm0 =	vcmask $0x1304;
	v2 =	vunpack.c.0.s8.s32 v56;
	v57, v5, _ =	vpop (xrf1);
	[tilespmem:$0x130] =	vst v3  }
0x1a: {  	v1 =	vnsel vm0, $0x0, v1;
	vm0 =	vcmask $0x2314;
	[tilespmem:$0x80] =	vst v57  }
0x1b: {  	v3, v6, _ =	vpop (xrf1);
	[tilespmem:$0x100] =	vst v5;
	v1 =	vsel vm0, v2, v1  }
0x1c: {  	[tilespmem:$0x90] =	vst v3  }
0x1d: {  	[tilespmem:$0x110] =	vst v6;
	v2, v58, _ =	vpop (xrf1)  }
0x1e: {  	[tilespmem:$0x120] =	vst v58  }
0x1f: {  	s5 =	simm.s32 $0x100;
	[tilespmem:$0xA0] =	vst v2  }
0x20: {  	v2 =	vld.idx.msk [tilespmem:v1+s5+$0x0], $0xffff;
	_ =	sdelay $0x3  }
0x21: {  	vm0 =	vmmov $0xff  }
0x22: {  	v2 =	vnsel vm0, $0x7F, v2  }
0x23: {  	v2 =	vxor.u32 $0x80000000, v2  }
0x24: {  	(xrf1) =	vsort.ascd.msk.u32 $0xffff, v2, v0;
	_ =	sdelay $0x8  }
0x25: {  	s6 =	simm.s32 $0x80  }
0x26: {  	v3 =	vld.idx.msk [tilespmem:v1+s6+$0x0], $0xffff;
	_ =	sdelay $0x3  }
0x27: {  	v59, v60, _ =	vpop (xrf1)  }
0x28: {  	v3 =	vnsel vm0, $0x0, v3;
	v2 =	vand.u32 $0x1, v60  }
0x29: {  	vm1 =	vlt.s32 v60, $0x1;
	v61 =	vshrl.u32 v60, $0x1F;
	vm2 =	veq.s32 v2, $0x1  }
0x2a: {  	v2 =	vimm.s32 $0x0;
	v6 =	vadd.s32 v61, v60;
	vm1 =	vmand vm1, vm2  }
0x2b: {  	[tilespmem:$0x180] =	vst v3;
	v3 =	vxor.u32 $0x80000000, v59;
	v62 =	vshra.s32 v6, $0x1;
	v63 =	vsel vm1, $0xFFFFFFFF, v2  }
0x2c: {  	[tilespmem:$0x200] =	vst v3;
	v3 =	vadd.s32 v63, v62  }
0x2d: {  	s7 =	simm.s32 $0x180;
	[tilespmem:$0x280] =	vst v3  }
0x2e: {  	v3 =	vld.idx.msk [tilespmem:v60+s7+$0x0], $0xffff  }
0x2f: {  	s12 =	ssub.s32 $0x2, s9  }
0x30: {  	s13 =	sshrl.u32 s12, $0x1  }
0x31: {  	s14 =	ssub.s32 s12, s13  }
0x32: {  	p0 =	sne.s32 s14, $0x1  }
.Ltmp1:
0x33: {  	s8 =	sadd.s32 $0x1000, s10;
	s11 =	simm.s32 $0x200;
	[tilespmem:$0x300] =	vst v3;
	(pc) =	sbr.rel @!p0 .LBB2_3-.Ltmp1, $4  }
0x34: {  	[hbm4b:s8+s4] =	stream.linear.scatter [tilespmem:s11], [sflag:$0x1], $0x80, $0x38;
	[tilespmem:$0x380] =	vst v63  }
0x35: {  	s9 =	sadd.s32 $0x1200, s10;
	_ =	swait.ge [sflag:s3], $0x80  }
0x36: {  	s10 =	sadd.s32 $0x1400, s10;
	s13 =	simm.s32 $0x280;
	[sflag:s3] =	ssyncset.done $0x0  }
0x37: {  	s12 =	simm.s32 $0x300;
	s14 =	sadd.s32 $0xFFFFFFFF, s14;
	[sflag:s3] =	ssyncadd.s32 $0xFFFFFF80  }
.LBB2_2:
0x38: {  	[hbm4b:s9+s4] =	stream.linear.scatter [tilespmem:s13], [sflag:$0x1], $0x80, $0x38;
	[tilespmem:$0x380] =	vst v63  }
0x39: {  	p0 =	sne.s32 s14, $0x1;
	s14 =	sadd.s32 $0xFFFFFFFF, s14;
	_ =	swait.ge [sflag:s3], $0x80  }
0x3a: {  	[sflag:s3] =	ssyncset.done $0x0  }
0x3b: {  	[sflag:s3] =	ssyncadd.s32 $0xFFFFFF80  }
0x3c: {  	[hbm4b:s10+s4] =	stream.linear.scatter [tilespmem:s12], [sflag:$0x1], $0x80, $0x38;
	[tilespmem:$0x380] =	vst v63  }
0x3d: {  	_ =	swait.ge [sflag:s3], $0x80  }
0x3e: {  	[sflag:s3] =	ssyncset.done $0x0  }
0x3f: {  	[sflag:s3] =	ssyncadd.s32 $0xFFFFFF80  }
0x40: {  	[tilespmem:s4], [sflag:$0x1] =	stream.linear.gather [hbm4b:s2+s4], $0x80, $0x38;
	[tilespmem:$0x380] =	vst v63  }
0x41: {  	_ =	swait.ge [sflag:s3], $0x80  }
0x42: {  	[sflag:s3] =	ssyncset.done $0x0  }
0x43: {  	[sflag:s3] =	ssyncadd.s32 $0xFFFFFF80  }
0x44: {  	v3 =	vld [tilespmem:$0x30]  }
0x45: {  	v4 =	vld [tilespmem:$0x0]  }
0x46: {  	v5 =	vld [tilespmem:$0x10]  }
0x47: {  	v6 =	vld [tilespmem:$0x20];
	_ =	sdelay $0x1  }
0x48: {  	(xrf1) =	vsort.dscd.msk.f32 $0xffff, v3, v0  }
0x49: {  	(xrf1) =	vsort.dscd.msk.f32 $0xffff, v4, v0  }
0x4a: {  	(xrf1) =	vsort.dscd.msk.f32 $0xffff, v5, v0  }
0x4b: {  	(xrf1) =	vsort.dscd.msk.f32 $0xffff, v6, v0;
	_ =	sdelay $0xa  }
0x4c: {  	v3, v4, _ =	vpop (xrf1)  }
0x4d: {  	[tilespmem:$0xB0] =	vst v3;
	v3, v5, _ =	vpop (xrf1)  }
0x4e: {  	[tilespmem:$0x130] =	vst v4;
	v4, v6, _ =	vpop (xrf1)  }
0x4f: {  	[tilespmem:$0x80] =	vst v3;
	v3, v7, _ =	vpop (xrf1)  }
0x50: {  	[tilespmem:$0x90] =	vst v4  }
0x51: {  	[tilespmem:$0x120] =	vst v7  }
0x52: {  	[tilespmem:$0x100] =	vst v5  }
0x53: {  	[tilespmem:$0xA0] =	vst v3  }
0x54: {  	[tilespmem:$0x110] =	vst v6  }
0x55: {  	v3 =	vld.idx.msk [tilespmem:v1+s5+$0x0], $0xffff  }
0x56: {  	v4 =	vld.idx.msk [tilespmem:v1+s6+$0x0], $0xffff;
	_ =	sdelay $0x4  }
0x57: {  	v3 =	vnsel vm0, $0x7F, v3  }
0x58: {  	v4 =	vnsel vm0, $0x0, v4;
	v3 =	vxor.u32 $0x80000000, v3  }
0x59: {  	[tilespmem:$0x180] =	vst v4;
	(xrf1) =	vsort.ascd.msk.u32 $0xffff, v3, v0;
	_ =	sdelay $0xd  }
0x5a: {  	v3, v4, _ =	vpop (xrf1)  }
0x5b: {  	v5 =	vshrl.u32 v4, $0x1F;
	vm1 =	vlt.s32 v4, $0x1;
	v6 =	vand.u32 $0x1, v4  }
0x5c: {  	v3 =	vxor.u32 $0x80000000, v3;
	v5 =	vadd.s32 v5, v4;
	vm2 =	veq.s32 v6, $0x1  }
0x5d: {  	[tilespmem:$0x200] =	vst v3;
	v3 =	vshra.s32 v5, $0x1;
	vm1 =	vmand vm1, vm2  }
0x5e: {  	v5 =	vsel vm1, $0xFFFFFFFF, v2  }
0x5f: {  	v3 =	vadd.s32 v5, v3  }
0x60: {  	[tilespmem:$0x280] =	vst v3  }
0x61: {  	v3 =	vld.idx.msk [tilespmem:v4+s7+$0x0], $0xffff;
	_ =	sdelay $0x5  }
.Ltmp2:
0x62: {  	[tilespmem:$0x300] =	vst v3;
	(pc) =	sbr.rel @p0 .LBB2_2-.Ltmp2, $4  }
0x63: {  	[hbm4b:s8+s4] =	stream.linear.scatter [tilespmem:s11], [sflag:$0x1], $0x80, $0x38;
	[tilespmem:$0x380] =	vst v63  }
0x64: {  	_ =	swait.ge [sflag:s3], $0x80  }
0x65: {  	[sflag:s3] =	ssyncset.done $0x0  }
0x66: {  	[sflag:s3] =	ssyncadd.s32 $0xFFFFFF80  }
.LBB2_3:
0x67: {  	[hbm4b:s9+s4] =	stream.linear.scatter [tilespmem:s13], [sflag:$0x1], $0x80, $0x38;
	[tilespmem:$0x380] =	vst v63  }
0x68: {  	_ =	swait.ge [sflag:s3], $0x80  }
0x69: {  	[sflag:s3] =	ssyncset.done $0x0  }
0x6a: {  	[sflag:s3] =	ssyncadd.s32 $0xFFFFFF80  }
0x6b: {  	[hbm4b:s10+s4] =	stream.linear.scatter [tilespmem:s12], [sflag:$0x1], $0x80, $0x38;
	[tilespmem:$0x380] =	vst v63  }
0x6c: {  	_ =	swait.ge [sflag:s3], $0x80  }
0x6d: {  	[sflag:s3] =	ssyncset.done $0x0  }
0x6e: {  	[sflag:s3] =	ssyncadd.s32 $0xFFFFFF80  }
.LBB2_4:
0x6f: {  	_ =	sfence.sel $0x180000  }
0x70: {  	[bflag:$0x0] =	sbarrier.arrive $0xFFFF  }
0x71: {  	p0 =	sne.s32 s0, $0x0;
	_ =	strace $0x90000047  }
0x72: {  	s0 =	sadd.s32 @!p0 $0x100000, s1;
	[bflag:$0x2] =	sbarrier.arrive $0xFFFF  }
0x73: {  	[sflag:s0] =	ssyncadd.tile.s32 @!p0 $0x1;
	_ =	shalt  }
.Lfunc_end2:
_tile_overlayer_lowered:
.L_overlay_start_2:
0x74: {  	(tag) =	ssettag $0x2  }
0x75: {  	s0 =	rddreg [dreg:$0x0];
	s2 =	stileid.u32  }
0x76: {  	s1 =	rddreg [dreg:$0x1];
	p0 =	sne.s32 s2, $0x0  }
0x77: {  	s3 =	rddreg [dreg:$0x2];
	[bflag:$0x3] =	sbarrier.arrive $0xFFFF;
	s2 =	simm.s32 @!p0 $0x1C01  }
0x78: {  	[timem:s3], [sflag:s2] =	dma.local @!p0 [hbm:s0], s1  }
0x79: {  	s0 =	simm.s32 @!p0 $0x1  }
0x7a: {  	_ =	swait.ge @!p0 [sflag:s0], s1  }
0x7b: {  	s1 =	ssub.s32 @!p0 $0x0, s1;
	[sflag:s0] =	ssyncset.done @!p0 $0x0  }
0x7c: {  	[sflag:s0] =	ssyncadd.s32 @!p0 s1  }
0x7d: {  	[bflag:$0x3] =	sbarrier.arrive $0xFFFF  }
0x7e: {  	_ =	shalt  }

</sc_bundles>
